<compile_context>
chip_gen: v7x
topology: tpu7x:2x2x1
jax: 0.10.2.dev20260603
libtpu: 0.0.44.dev20260713+nightly
codegen_flags: <defaults>
</compile_context>

<pallas_src>
import jax
import jax.numpy as jnp
from jax import lax
from jax.experimental import pallas as pl
from jax.experimental.pallas import tpu as pltpu
from jax.experimental.pallas import tpu_sc as plsc

N = 10000
E = 320000
D = 128
G = 64

NC = 2
NS = 16
NW = NC * NS
CHUNK = 128
EPW = E // NW
NCHUNK = -(-EPW // CHUNK)
EPW_PAD = NCHUNK * CHUNK
NPAD = 10240
ROWS_PER_TILE = NPAD // NS


def _sc_agg_body(h_hbm, src_hbm, dst_hbm, zeros_hbm, out_hbm,
                 sidx_v, didx_v, rows_v, agg_s, sem):
    cid = lax.axis_index("c")
    tid = lax.axis_index("s")
    wid = cid * NS + tid

    zbase = tid * ROWS_PER_TILE
    pltpu.sync_copy(zeros_hbm.at[pl.ds(zbase, ROWS_PER_TILE)],
                    agg_s.at[pl.ds(zbase, ROWS_PER_TILE)])
    plsc.subcore_barrier()

    def body(j, _):
        pltpu.sync_copy(src_hbm.at[wid, j], sidx_v)
        pltpu.sync_copy(dst_hbm.at[wid, j], didx_v)
        pltpu.async_copy(h_hbm.at[sidx_v], rows_v, sem).wait()
        pltpu.sync_copy(rows_v, agg_s.at[didx_v], add=True)
        return 0

    lax.fori_loop(0, NCHUNK, body, 0)
    plsc.subcore_barrier()

    pltpu.sync_copy(agg_s.at[pl.ds(zbase, ROWS_PER_TILE)],
                    out_hbm.at[cid, pl.ds(zbase, ROWS_PER_TILE)])


@jax.jit
def _sc_agg(h, src3, dst3, zeros):
    mesh = plsc.VectorSubcoreMesh(core_axis_name="c", subcore_axis_name="s")
    return pl.kernel(
        _sc_agg_body,
        out_type=jax.ShapeDtypeStruct((NC, NPAD, D), jnp.float32),
        mesh=mesh,
        scratch_types=[
            pltpu.VMEM((CHUNK,), jnp.int32),
            pltpu.VMEM((CHUNK,), jnp.int32),
            pltpu.VMEM((CHUNK, D), jnp.float32),
            pltpu.VMEM_SHARED((NPAD, D), jnp.float32),
            pltpu.SemaphoreType.DMA,
        ],
    )(h, src3, dst3, zeros)


def _dot6(a, b):
    bf = jnp.bfloat16
    f32 = jnp.float32
    a0 = a.astype(bf)
    ra = a - a0.astype(f32)
    a1 = ra.astype(bf)
    a2 = (ra - a1.astype(f32)).astype(bf)
    b0 = b.astype(bf)
    rb = b - b0.astype(f32)
    b1 = rb.astype(bf)
    b2 = (rb - b1.astype(f32)).astype(bf)
    d = lambda x, y: jnp.dot(x, y, preferred_element_type=f32)
    return ((d(a2, b0) + d(a1, b1) + d(a0, b2))
            + (d(a1, b0) + d(a0, b1)) + d(a0, b0))


def _mlp_body(h_ref, agg_ref, eps_ref, w1_ref, w2_ref, vecs_ref, out_ref):
    h = h_ref[...]
    agg = agg_ref[0, :N] + agg_ref[1, :N]
    b1 = vecs_ref[0:1, :]
    g1 = vecs_ref[1:2, :]
    be1 = vecs_ref[2:3, :]
    b2 = vecs_ref[3:4, :]
    go = vecs_ref[4:5, :]
    bo = vecs_ref[5:6, :]

    z = (1.0 + eps_ref[0, 0]) * h + agg
    z = jnp.dot(z, w1_ref[...], preferred_element_type=jnp.float32) + b1
    mu = jnp.mean(z, axis=0, keepdims=True)
    var = jnp.mean((z - mu) * (z - mu), axis=0, keepdims=True)
    z = (z - mu) / jnp.sqrt(var + 1e-5) * g1 + be1
    z = jnp.maximum(z, 0.0)
    z = jnp.dot(z, w2_ref[...], preferred_element_type=jnp.float32) + b2
    mu2 = jnp.mean(z, axis=0, keepdims=True)
    var2 = jnp.mean((z - mu2) * (z - mu2), axis=0, keepdims=True)
    z = (z - mu2) / jnp.sqrt(var2 + 1e-5) * go + bo
    out_ref[...] = jnp.maximum(z, 0.0)


@jax.jit
def _mlp(h, agg, eps_i, w1, w2, vecs):
    return pl.pallas_call(
        _mlp_body,
        out_shape=jax.ShapeDtypeStruct((N, D), jnp.float32),
        in_specs=[
            pl.BlockSpec(memory_space=pltpu.VMEM),
            pl.BlockSpec(memory_space=pltpu.VMEM),
            pl.BlockSpec(memory_space=pltpu.SMEM),
            pl.BlockSpec(memory_space=pltpu.VMEM),
            pl.BlockSpec(memory_space=pltpu.VMEM),
            pl.BlockSpec(memory_space=pltpu.VMEM),
        ],
        out_specs=pl.BlockSpec(memory_space=pltpu.VMEM),
    )(h, agg, eps_i, w1, w2, vecs)


def _pool_body(h_ref, batch_ref, hw_ref, hb_ref, out_ref):
    h = h_ref[...]
    b = batch_ref[...]
    gids = lax.broadcasted_iota(jnp.int32, (G, N), 0)
    onehot = (b == gids).astype(jnp.float32)
    sums = _dot6(onehot, h)
    counts = jnp.sum(onehot, axis=1)[:, None]
    pooled = sums / jnp.maximum(counts, 1.0)
    out_ref[...] = (jnp.dot(pooled, hw_ref[...],
                            preferred_element_type=jnp.float32)
                    + hb_ref[0, 0])


@jax.jit
def _pool(h, batch2, head_W, head_b):
    return pl.pallas_call(
        _pool_body,
        out_shape=jax.ShapeDtypeStruct((G, 1), jnp.float32),
        in_specs=[
            pl.BlockSpec(memory_space=pltpu.VMEM),
            pl.BlockSpec(memory_space=pltpu.VMEM),
            pl.BlockSpec(memory_space=pltpu.VMEM),
            pl.BlockSpec(memory_space=pltpu.SMEM),
        ],
        out_specs=pl.BlockSpec(memory_space=pltpu.VMEM),
    )(h, batch2, head_W, head_b)


def kernel(x, edge_index, batch, eps, W1, b1, g1, be1, W2, b2, go, bo,
           head_W, head_b):
    src = edge_index[0].reshape(NW, EPW)
    dst = edge_index[1].reshape(NW, EPW)
    pad = EPW_PAD - EPW
    if pad:
        src = jnp.concatenate([src, jnp.zeros((NW, pad), jnp.int32)], axis=1)
        dst = jnp.concatenate([dst, jnp.full((NW, pad), N, jnp.int32)], axis=1)
    src3 = src.reshape(NW, NCHUNK, CHUNK)
    dst3 = dst.reshape(NW, NCHUNK, CHUNK)
    zeros = jnp.zeros((NPAD, D), jnp.float32)

    h = x
    for i in range(3):
        agg = _sc_agg(h, src3, dst3, zeros)
        vecs = jnp.stack([b1[i], g1[i], be1[i], b2[i], go[i], bo[i]], axis=0)
        h = _mlp(h, agg, eps[i].reshape(1, 1), W1[i], W2[i], vecs)
    return _pool(h, batch.reshape(1, N), head_W, head_b.reshape(1, 1))

# --- scband reference (transcript-rebuilt; emitter-appended) ---
"""Pipeline reference for scband-ginregression-net-48137993453578 (READ-ONLY COPY).

The authoritative reference and input builder live on the scoring server;
editing this copy changes nothing except your own understanding.
"""

import jax, jax.numpy as jnp
import numpy as np

N = 10000
E = 320000
D = 128
L = 3
T = 1
G = 64


def _bn(h, gamma, beta):
    mu = jnp.mean(h, axis=0)
    var = jnp.var(h, axis=0)
    return (h - mu) / jnp.sqrt(var + 1e-5) * gamma + beta


def setup_inputs(seed: int = 0) -> dict:
    key = jax.random.key(seed)
    ks = jax.random.split(key, 16)
    x = jax.random.normal(ks[0], (N, D), dtype=jnp.float32)
    edge_index = jax.random.randint(ks[1], (2, E), 0, N, dtype=jnp.int32)
    batch = jnp.sort(jax.random.randint(ks[2], (N,), 0, G, dtype=jnp.int32))
    eps = jnp.zeros((L,), dtype=jnp.float32)
    W1 = jax.random.normal(ks[3], (L, D, D), dtype=jnp.float32) * 0.05
    b1 = jnp.zeros((L, D), dtype=jnp.float32)
    g1 = jnp.ones((L, D), dtype=jnp.float32)
    be1 = jnp.zeros((L, D), dtype=jnp.float32)
    W2 = jax.random.normal(ks[4], (L, D, D), dtype=jnp.float32) * 0.05
    b2 = jnp.zeros((L, D), dtype=jnp.float32)
    go = jnp.ones((L, D), dtype=jnp.float32)
    bo = jnp.zeros((L, D), dtype=jnp.float32)
    head_W = jax.random.normal(ks[5], (D, T), dtype=jnp.float32) * 0.05
    head_b = jnp.zeros((T,), dtype=jnp.float32)
    return {"x": x, "edge_index": edge_index, "batch": batch, "eps": eps,
            "W1": W1, "b1": b1, "g1": g1, "be1": be1,
            "W2": W2, "b2": b2, "go": go, "bo": bo,
            "head_W": head_W, "head_b": head_b}


def reference(x, edge_index, batch, eps, W1, b1, g1, be1, W2, b2, go, bo, head_W, head_b):
    src = edge_index[0]
    dst = edge_index[1]
    h = x
    for i in range(L):
        # GINConv with sum aggregation: (1+eps)*x + sum_{j in N(i)} x_j
        agg = jnp.zeros_like(h).at[dst].add(h[src])
        out = (1.0 + eps[i]) * h + agg
        # mlp: Linear -> BatchNorm1d -> ReLU -> Linear
        out = out @ W1[i] + b1[i]
        out = _bn(out, g1[i], be1[i])
        out = jax.nn.relu(out)
        out = out @ W2[i] + b2[i]
        # outer batch norm + relu
        out = _bn(out, go[i], bo[i])
        h = jax.nn.relu(out)
    # global_mean_pool over graph ids
    sums = jax.ops.segment_sum(h, batch, num_segments=G)
    counts = jax.ops.segment_sum(jnp.ones((N, 1), dtype=h.dtype), batch, num_segments=G)
    pooled = sums / jnp.maximum(counts, 1.0)
    return pooled @ head_W + head_b

if __name__ == "__main__":
    import jax
    _d = setup_inputs()
    print(jax.jit(kernel)(*tuple(_d.values())))

</pallas_src>

<mosaic_0001>
#map = affine_map<(d0, d1) -> (0, 0)>
#map1 = affine_map<(d0, d1) -> (0, 0, 0)>
module attributes {stable_mosaic.version = 14 : i64} {
  func.func @_sc_agg_body(%arg0: i32, %arg1: i32, %arg2: memref<10000x128xf32, #tpu.memory_space<hbm>>, %arg3: memref<32x79x128xi32, #tpu.memory_space<hbm>>, %arg4: memref<32x79x128xi32, #tpu.memory_space<hbm>>, %arg5: memref<10240x128xf32, #tpu.memory_space<hbm>>, %arg6: memref<2x10240x128xf32, #tpu.memory_space<hbm>>, %arg7: memref<128xi32, #tpu.memory_space<vmem>>, %arg8: memref<128xi32, #tpu.memory_space<vmem>>, %arg9: memref<128x128xf32, #tpu.memory_space<vmem>>, %arg10: memref<10240x128xf32, #tpu.memory_space<vmem_shared>>, %arg11: memref<!tpu.dma_semaphore, #tpu.memory_space<semaphore_mem>>) attributes {dimension_semantics = [#tpu.dimension_semantics<core_parallel>, #tpu.dimension_semantics<subcore_parallel>], iteration_bounds = array<i64: 2, 16>, scalar_prefetch = 0 : i64, scratch_operands = 5 : i64, tpu.core_type = #tpu.core_type<sc_vector_subcore>, window_params = [{transform_indices = #map}, {transform_indices = #map1}, {transform_indices = #map1}, {transform_indices = #map}, {transform_indices = #map1}]} {
    %mul3A = arith.constant 16 : i32
    %mul3A_0 = arith.muli %arg0, %mul3A : i32
    %add3A = arith.addi %mul3A_0, %arg1 : i32
    %mul3A_1 = arith.constant 640 : i32
    %mul3A_2 = arith.muli %arg1, %mul3A_1 : i32
    "tpu.region"() ({
      %run_scoped3A = tpu.sem_alloc : memref<!tpu.dma_semaphore, #tpu.memory_space<semaphore_mem>>
      %dma_start3A = arith.constant 0 : i32
      %dma_start3A_10 = tpu.memref_slice %arg10[%mul3A_2, %dma_start3A] : memref<10240x128xf32, #tpu.memory_space<vmem_shared>> -> memref<640x128xf32, #tpu.memory_space<vmem_shared>>
      %dma_start3A_11 = arith.constant 0 : i32
      %dma_start3A_12 = tpu.memref_slice %arg5[%mul3A_2, %dma_start3A_11] : memref<10240x128xf32, #tpu.memory_space<hbm>> -> memref<640x128xf32, #tpu.memory_space<hbm>>
      tpu.enqueue_dma source(%dma_start3A_12 : memref<640x128xf32, #tpu.memory_space<hbm>>) target(%dma_start3A_10 : memref<640x128xf32, #tpu.memory_space<vmem_shared>>) target_semaphore(%run_scoped3A : memref<!tpu.dma_semaphore, #tpu.memory_space<semaphore_mem>>)
      %dma_wait3A = arith.constant 0 : i32
      %dma_wait3A_13 = tpu.memref_slice %arg10[%mul3A_2, %dma_wait3A] : memref<10240x128xf32, #tpu.memory_space<vmem_shared>> -> memref<640x128xf32, #tpu.memory_space<vmem_shared>>
      %dma_wait3A_14 = arith.constant 0 : i32
      %dma_wait3A_15 = tpu.memref_slice %arg5[%mul3A_2, %dma_wait3A_14] : memref<10240x128xf32, #tpu.memory_space<hbm>> -> memref<640x128xf32, #tpu.memory_space<hbm>>
      tpu.wait_dma2 semaphore(%run_scoped3A : memref<!tpu.dma_semaphore, #tpu.memory_space<semaphore_mem>>) src(%dma_wait3A_15 : memref<640x128xf32, #tpu.memory_space<hbm>>) dst(%dma_wait3A_13 : memref<640x128xf32, #tpu.memory_space<vmem_shared>>)
      tpu.yield
    }) : () -> ()
    %barrier3A = arith.constant 0 : index
    tpu.barrier barrier_id(%barrier3A)
    %scan3A = arith.constant 0 : i32
    %scan3A_3 = arith.constant 0 : i32
    %scan3A_4 = arith.constant 79 : i32
    %scan3A_5 = arith.addi %scan3A_3, %scan3A_4 : i32
    %scan3A_6 = arith.constant 1 : i32
    %scan3A_7 = scf.for %scan3A_10 = %scan3A_3 to %scan3A_5 step %scan3A_6 iter_args(%scan3A_11 = %scan3A) -> (i32)  : i32 {
      "tpu.region"() ({
        %run_scoped3A = tpu.sem_alloc : memref<!tpu.dma_semaphore, #tpu.memory_space<semaphore_mem>>
        %dma_start3A_17 = arith.constant 0 : i32
        %dma_start3A_18 = tpu.memref_slice %arg3[%add3A, %scan3A_10, %dma_start3A_17] : memref<32x79x128xi32, #tpu.memory_space<hbm>> -> memref<1x1x128xi32, #tpu.memory_space<hbm>>
        %dma_start3A_19 = tpu.memref_squeeze %dma_start3A_18 : memref<1x1x128xi32, #tpu.memory_space<hbm>> -> memref<128xi32, #tpu.memory_space<hbm>>
        %dma_start3A_20 = arith.constant 0 : i32
        %dma_start3A_21 = tpu.memref_slice %arg3[%add3A, %scan3A_10, %dma_start3A_20] : memref<32x79x128xi32, #tpu.memory_space<hbm>> -> memref<1x1x128xi32, #tpu.memory_space<hbm>>
        %dma_start3A_22 = tpu.memref_squeeze %dma_start3A_21 : memref<1x1x128xi32, #tpu.memory_space<hbm>> -> memref<128xi32, #tpu.memory_space<hbm>>
        tpu.enqueue_dma source(%dma_start3A_22 : memref<128xi32, #tpu.memory_space<hbm>>) target(%arg7 : memref<128xi32, #tpu.memory_space<vmem>>) target_semaphore(%run_scoped3A : memref<!tpu.dma_semaphore, #tpu.memory_space<semaphore_mem>>)
        %dma_wait3A_23 = arith.constant 0 : i32
        %dma_wait3A_24 = tpu.memref_slice %arg3[%add3A, %scan3A_10, %dma_wait3A_23] : memref<32x79x128xi32, #tpu.memory_space<hbm>> -> memref<1x1x128xi32, #tpu.memory_space<hbm>>
        %dma_wait3A_25 = tpu.memref_squeeze %dma_wait3A_24 : memref<1x1x128xi32, #tpu.memory_space<hbm>> -> memref<128xi32, #tpu.memory_space<hbm>>
        %dma_wait3A_26 = arith.constant 0 : i32
        %dma_wait3A_27 = tpu.memref_slice %arg3[%add3A, %scan3A_10, %dma_wait3A_26] : memref<32x79x128xi32, #tpu.memory_space<hbm>> -> memref<1x1x128xi32, #tpu.memory_space<hbm>>
        %dma_wait3A_28 = tpu.memref_squeeze %dma_wait3A_27 : memref<1x1x128xi32, #tpu.memory_space<hbm>> -> memref<128xi32, #tpu.memory_space<hbm>>
        tpu.wait_dma2 semaphore(%run_scoped3A : memref<!tpu.dma_semaphore, #tpu.memory_space<semaphore_mem>>) src(%dma_wait3A_28 : memref<128xi32, #tpu.memory_space<hbm>>) dst(%arg7 : memref<128xi32, #tpu.memory_space<vmem>>)
        tpu.yield
      }) : () -> ()
      "tpu.region"() ({
        %run_scoped3A = tpu.sem_alloc : memref<!tpu.dma_semaphore, #tpu.memory_space<semaphore_mem>>
        %dma_start3A_17 = arith.constant 0 : i32
        %dma_start3A_18 = tpu.memref_slice %arg4[%add3A, %scan3A_10, %dma_start3A_17] : memref<32x79x128xi32, #tpu.memory_space<hbm>> -> memref<1x1x128xi32, #tpu.memory_space<hbm>>
        %dma_start3A_19 = tpu.memref_squeeze %dma_start3A_18 : memref<1x1x128xi32, #tpu.memory_space<hbm>> -> memref<128xi32, #tpu.memory_space<hbm>>
        %dma_start3A_20 = arith.constant 0 : i32
        %dma_start3A_21 = tpu.memref_slice %arg4[%add3A, %scan3A_10, %dma_start3A_20] : memref<32x79x128xi32, #tpu.memory_space<hbm>> -> memref<1x1x128xi32, #tpu.memory_space<hbm>>
        %dma_start3A_22 = tpu.memref_squeeze %dma_start3A_21 : memref<1x1x128xi32, #tpu.memory_space<hbm>> -> memref<128xi32, #tpu.memory_space<hbm>>
        tpu.enqueue_dma source(%dma_start3A_22 : memref<128xi32, #tpu.memory_space<hbm>>) target(%arg8 : memref<128xi32, #tpu.memory_space<vmem>>) target_semaphore(%run_scoped3A : memref<!tpu.dma_semaphore, #tpu.memory_space<semaphore_mem>>)
        %dma_wait3A_23 = arith.constant 0 : i32
        %dma_wait3A_24 = tpu.memref_slice %arg4[%add3A, %scan3A_10, %dma_wait3A_23] : memref<32x79x128xi32, #tpu.memory_space<hbm>> -> memref<1x1x128xi32, #tpu.memory_space<hbm>>
        %dma_wait3A_25 = tpu.memref_squeeze %dma_wait3A_24 : memref<1x1x128xi32, #tpu.memory_space<hbm>> -> memref<128xi32, #tpu.memory_space<hbm>>
        %dma_wait3A_26 = arith.constant 0 : i32
        %dma_wait3A_27 = tpu.memref_slice %arg4[%add3A, %scan3A_10, %dma_wait3A_26] : memref<32x79x128xi32, #tpu.memory_space<hbm>> -> memref<1x1x128xi32, #tpu.memory_space<hbm>>
        %dma_wait3A_28 = tpu.memref_squeeze %dma_wait3A_27 : memref<1x1x128xi32, #tpu.memory_space<hbm>> -> memref<128xi32, #tpu.memory_space<hbm>>
        tpu.wait_dma2 semaphore(%run_scoped3A : memref<!tpu.dma_semaphore, #tpu.memory_space<semaphore_mem>>) src(%dma_wait3A_28 : memref<128xi32, #tpu.memory_space<hbm>>) dst(%arg8 : memref<128xi32, #tpu.memory_space<vmem>>)
        tpu.yield
      }) : () -> ()
      %dma_start3A = arith.constant 0 : i32
      %dma_start3A_12 = arith.constant 0 : i32
      %dma_start3A_13 = tpu.memref_slice %arg2[%dma_start3A, %dma_start3A_12] : memref<10000x128xf32, #tpu.memory_space<hbm>> -> memref<10000x128xf32, #tpu.memory_space<hbm>>
      tpu.enqueue_indirect_dma source(%dma_start3A_13 : memref<10000x128xf32, #tpu.memory_space<hbm>>) target(%arg9 : memref<128x128xf32, #tpu.memory_space<vmem>>) offsets(%arg7 : memref<128xi32, #tpu.memory_space<vmem>>) semaphore(%arg11 : memref<!tpu.dma_semaphore, #tpu.memory_space<semaphore_mem>>)
      %dma_wait3A = arith.constant 0 : i32
      %dma_wait3A_14 = arith.constant 0 : i32
      %dma_wait3A_15 = tpu.memref_slice %arg2[%dma_wait3A, %dma_wait3A_14] : memref<10000x128xf32, #tpu.memory_space<hbm>> -> memref<10000x128xf32, #tpu.memory_space<hbm>>
      tpu.wait_indirect_dma semaphore(%arg11 : memref<!tpu.dma_semaphore, #tpu.memory_space<semaphore_mem>>) src(%dma_wait3A_15 : memref<10000x128xf32, #tpu.memory_space<hbm>>) dst(%arg9 : memref<128x128xf32, #tpu.memory_space<vmem>>)
      "tpu.region"() ({
        %run_scoped3A = tpu.sem_alloc : memref<!tpu.dma_semaphore, #tpu.memory_space<semaphore_mem>>
        %dma_start3A_17 = arith.constant 0 : i32
        %dma_start3A_18 = arith.constant 0 : i32
        %dma_start3A_19 = tpu.memref_slice %arg10[%dma_start3A_17, %dma_start3A_18] : memref<10240x128xf32, #tpu.memory_space<vmem_shared>> -> memref<10240x128xf32, #tpu.memory_space<vmem_shared>>
        tpu.enqueue_indirect_dma source(%arg9 : memref<128x128xf32, #tpu.memory_space<vmem>>) target(%dma_start3A_19 : memref<10240x128xf32, #tpu.memory_space<vmem_shared>>) offsets(%arg8 : memref<128xi32, #tpu.memory_space<vmem>>) semaphore(%run_scoped3A : memref<!tpu.dma_semaphore, #tpu.memory_space<semaphore_mem>>) {add = true}
        %dma_wait3A_20 = arith.constant 0 : i32
        %dma_wait3A_21 = arith.constant 0 : i32
        %dma_wait3A_22 = tpu.memref_slice %arg10[%dma_wait3A_20, %dma_wait3A_21] : memref<10240x128xf32, #tpu.memory_space<vmem_shared>> -> memref<10240x128xf32, #tpu.memory_space<vmem_shared>>
        tpu.wait_indirect_dma semaphore(%run_scoped3A : memref<!tpu.dma_semaphore, #tpu.memory_space<semaphore_mem>>) src(%arg9 : memref<128x128xf32, #tpu.memory_space<vmem>>) dst(%dma_wait3A_22 : memref<10240x128xf32, #tpu.memory_space<vmem_shared>>)
        tpu.yield
      }) : () -> ()
      %scan3A_16 = arith.constant 0 : i32
      scf.yield %scan3A_16 : i32
    }
    %scan3A_8 = arith.constant 79 : i32
    %barrier3A_9 = arith.constant 0 : index
    tpu.barrier barrier_id(%barrier3A_9)
    "tpu.region"() ({
      %run_scoped3A = tpu.sem_alloc : memref<!tpu.dma_semaphore, #tpu.memory_space<semaphore_mem>>
      %dma_start3A = arith.constant 0 : i32
      %dma_start3A_10 = tpu.memref_slice %arg6[%arg0, %mul3A_2, %dma_start3A] : memref<2x10240x128xf32, #tpu.memory_space<hbm>> -> memref<1x640x128xf32, #tpu.memory_space<hbm>>
      %dma_start3A_11 = tpu.memref_squeeze %dma_start3A_10 : memref<1x640x128xf32, #tpu.memory_space<hbm>> -> memref<640x128xf32, #tpu.memory_space<hbm>>
      %dma_start3A_12 = arith.constant 0 : i32
      %dma_start3A_13 = tpu.memref_slice %arg10[%mul3A_2, %dma_start3A_12] : memref<10240x128xf32, #tpu.memory_space<vmem_shared>> -> memref<640x128xf32, #tpu.memory_space<vmem_shared>>
      tpu.enqueue_dma source(%dma_start3A_13 : memref<640x128xf32, #tpu.memory_space<vmem_shared>>) target(%dma_start3A_11 : memref<640x128xf32, #tpu.memory_space<hbm>>) target_semaphore(%run_scoped3A : memref<!tpu.dma_semaphore, #tpu.memory_space<semaphore_mem>>)
      %dma_wait3A = arith.constant 0 : i32
      %dma_wait3A_14 = tpu.memref_slice %arg6[%arg0, %mul3A_2, %dma_wait3A] : memref<2x10240x128xf32, #tpu.memory_space<hbm>> -> memref<1x640x128xf32, #tpu.memory_space<hbm>>
      %dma_wait3A_15 = tpu.memref_squeeze %dma_wait3A_14 : memref<1x640x128xf32, #tpu.memory_space<hbm>> -> memref<640x128xf32, #tpu.memory_space<hbm>>
      %dma_wait3A_16 = arith.constant 0 : i32
      %dma_wait3A_17 = tpu.memref_slice %arg10[%mul3A_2, %dma_wait3A_16] : memref<10240x128xf32, #tpu.memory_space<vmem_shared>> -> memref<640x128xf32, #tpu.memory_space<vmem_shared>>
      tpu.wait_dma2 semaphore(%run_scoped3A : memref<!tpu.dma_semaphore, #tpu.memory_space<semaphore_mem>>) src(%dma_wait3A_17 : memref<640x128xf32, #tpu.memory_space<vmem_shared>>) dst(%dma_wait3A_15 : memref<640x128xf32, #tpu.memory_space<hbm>>)
      tpu.yield
    }) : () -> ()
    return
  }
}

</mosaic_0001>

<sc_bundles>
// kernel: _sc_agg.3.cloned.1.call-start
scs
__scs_entry_jumppad:
0x0: {  	(pc) =	sbr.rel $0x88, $3  }
0x1: {  	(tag) =	ssettag $0x0;
	lr =	simm.s32 $0x1  }
0x2: {  	[smem:$0x3F9D] =	sst lr;
	_ =	strace $0xD0000000  }
0x3: {  	_ = 	snop  }
0x4: {  	_ = 	snop  }
0x5: {  	_ = 	snop  }
0x6: {  	_ = 	snop  }
0x7: {  	_ = 	snop  }
__scs_overlays_trampoline_lowered:
0x8: {  	[smem:$0x3FAC] =	sst s0  }
0x9: {  	[smem:$0x3FAD] =	sst s1  }
0xa: {  	[smem:$0x3FAE] =	sst s2  }
0xb: {  	[smem:$0x3FAF] =	sst s3  }
0xc: {  	[smem:$0x3FB0] =	sst s4  }
0xd: {  	[smem:$0x3FB1] =	sst s5  }
0xe: {  	[smem:$0x3FB2] =	sst s6  }
0xf: {  	[smem:$0x3FB3] =	sst s7  }
0x10: {  	[smem:$0x3FB4] =	sst s8  }
0x11: {  	[smem:$0x3FB5] =	sst s9;
	s0 =	simm.s32 @!p0 $0x0  }
0x12: {  	s1 =	sld [smem:$0x3F9B];
	s0 =	simm.s32 @p0 $0x1  }
0x13: {  	[smem:$0x3FB6] =	sst s0;
	s0 =	simm.s32 @!p1 $0x0  }
0x14: {  	s2 =	sld [smem:$0x3F9A];
	s0 =	simm.s32 @p1 $0x1  }
0x15: {  	[smem:$0x3FB7] =	sst s0;
	s0 =	simm.s32 @!p2 $0x0  }
0x16: {  	s3 =	sld [smem:$0x3FDB];
	s0 =	simm.s32 @p2 $0x1  }
0x17: {  	s4 =	simm.s32 $0x1BF5;
	[smem:$0x3FB9] =	sst s0  }
0x18: {  	s0 =	sld [smem:$0x3F9C];
	_ =	swait.ge [sflag:s4], $0x0  }
0x19: {  	s7 =	sld [smem:$0x3F9D]  }
0x1a: {  	s8 =	sadd.s32 $0xFFFFE003, lr  }
0x1b: {  	s9 =	sadd.s32 $0xFFFFFEF7, lr;
	s5 =	simm.s32 $0xFFFFFFFF;
	p2 =	slt.u32 s8, $0xFFFFF086  }
0x1c: {  	p1 =	slt.u32 s9, $0xF7A;
	s5 =	simm.s32 @!p2 $0x0  }
0x1d: {  	s5 =	simm.s32 @p1 $0x1;
	p0 =	seq.s32 s7, s2  }
0x1e: {  	s7 =	smul.u32 @!p0 $0xF7A, s2;
	p2 =	seq.s32 @!p0 s5, $0x0  }
0x1f: {  	s9 =	smul.u32 $0xF7A, s1;
	s8 =	simm.s32 @!p0 $0x1BF5;
	p2 =	por !p2, p0  }
0x20: {  	[sflag:s8] =	ssyncset.s32 @!p0 $0xFFFFF086;
	s6 =	sadd.s32 @!p0 s3, s7;
	s7 =	simm.s32 @!p0 $0x108  }
0x21: {  	s3 =	sadd.s32 s3, s9;
	s6 =	sadd.s32 @!p0 $0x88, s6;
	s7 =	simm.s32 @p2 $0x1082  }
0x22: {  	[simem:s7], [sflag:s8] =	dma.local @!p0 [hbm:s6], $0xF7A  }
0x23: {  	s9 =	sor.u32 $0xD0000000, s2;
	s6 =	simm.s32 $0x108;
	_ =	swait.ge @!p0 [sflag:s8], $0x0  }
0x24: {  	s3 =	sadd.s32 $0x88, s3;
	s6 =	simm.s32 @!p1 $0x1082;
	[sflag:s4] =	ssyncset.s32 $0xFFFFF086  }
0x25: {  	[simem:s6], [sflag:s4] =	dma.local [hbm:s3], $0xF7A  }
0x26: {  	[smem:$0x3F9D] =	sst s1;
	(tag) =	ssettag s2;
	_ =	strace s9  }
0x27: {  	s1 =	sld [smem:$0x3FAD]  }
0x28: {  	s2 =	sld [smem:$0x3FAE]  }
0x29: {  	s4 =	sld [smem:$0x3FB0]  }
0x2a: {  	p0 =	seq.s32 s5, $0x0;
	s5 =	sld [smem:$0x3FB1]  }
0x2b: {  	s6 =	sld [smem:$0x3FB2]  }
0x2c: {  	s7 =	sld [smem:$0x3FB3]  }
0x2d: {  	s3 =	simm.s32 $0x108;
	s8 =	sld [smem:$0x3FB4]  }
0x2e: {  	s3 =	simm.s32 @!p0 $0x1082;
	s9 =	sld [smem:$0x3FB5]  }
0x2f: {  	lr =	sadd.s32 s0, s3;
	s0 =	sld [smem:$0x3FAC]  }
0x30: {  	s3 =	sld [smem:$0x3FAF]  }
0x31: {  	[smem:$0x3FB8] =	sst s10  }
0x32: {  	s10 =	sld [smem:$0x3FB6];
	_ =	sdelay $0x3  }
0x33: {  	p0 =	seq.s32 s10, $0x1;
	s10 =	sld [smem:$0x3FB8];
	_ =	sdelay $0x3  }
0x34: {  	[smem:$0x3FB8] =	sst s10  }
0x35: {  	s10 =	sld [smem:$0x3FB7];
	_ =	sdelay $0x3  }
0x36: {  	p1 =	seq.s32 s10, $0x1;
	s10 =	sld [smem:$0x3FB8];
	_ =	sdelay $0x3  }
0x37: {  	[smem:$0x3FB8] =	sst s10  }
0x38: {  	s10 =	sld [smem:$0x3FB9]  }
0x39: {  	_ = 	snop;
	(pc) =	sbr.ind lr, $3  }
0x3a: {  	_ = 	snop  }
0x3b: {  	_ = 	snop  }
0x3c: {  	p2 =	seq.s32 s10, $0x1;
	s10 =	sld [smem:$0x3FB8]  }
0x3d: {  	_ =	shalt  }
0x3e: {  	_ =	shalt  }
0x3f: {  	_ =	shalt  }
0x40: {  	_ =	shalt  }
0x41: {  	_ =	shalt  }
0x42: {  	_ =	shalt  }
0x43: {  	_ =	shalt  }
0x44: {  	_ =	shalt  }
0x45: {  	_ =	shalt  }
0x46: {  	_ =	shalt  }
0x47: {  	_ =	shalt  }
0x48: {  	_ =	shalt  }
0x49: {  	_ =	shalt  }
0x4a: {  	_ =	shalt  }
0x4b: {  	_ =	shalt  }
0x4c: {  	_ =	shalt  }
0x4d: {  	_ =	shalt  }
0x4e: {  	_ =	shalt  }
0x4f: {  	_ =	shalt  }
0x50: {  	_ =	shalt  }
0x51: {  	_ =	shalt  }
0x52: {  	_ =	shalt  }
0x53: {  	_ =	shalt  }
0x54: {  	_ =	shalt  }
0x55: {  	_ =	shalt  }
0x56: {  	_ =	shalt  }
0x57: {  	_ =	shalt  }
0x58: {  	_ =	shalt  }
0x59: {  	_ =	shalt  }
0x5a: {  	_ =	shalt  }
0x5b: {  	_ =	shalt  }
0x5c: {  	_ =	shalt  }
0x5d: {  	_ =	shalt  }
0x5e: {  	_ =	shalt  }
0x5f: {  	_ =	shalt  }
0x60: {  	_ =	shalt  }
0x61: {  	_ =	shalt  }
0x62: {  	_ =	shalt  }
0x63: {  	_ =	shalt  }
0x64: {  	_ =	shalt  }
0x65: {  	_ =	shalt  }
0x66: {  	_ =	shalt  }
0x67: {  	_ =	shalt  }
0x68: {  	_ =	shalt  }
0x69: {  	_ =	shalt  }
0x6a: {  	_ =	shalt  }
0x6b: {  	_ =	shalt  }
0x6c: {  	_ =	shalt  }
0x6d: {  	_ =	shalt  }
0x6e: {  	_ =	shalt  }
0x6f: {  	_ =	shalt  }
0x70: {  	_ =	shalt  }
0x71: {  	_ =	shalt  }
0x72: {  	_ =	shalt  }
0x73: {  	_ =	shalt  }
0x74: {  	_ =	shalt  }
0x75: {  	_ =	shalt  }
0x76: {  	_ =	shalt  }
0x77: {  	_ =	shalt  }
0x78: {  	_ =	shalt  }
0x79: {  	_ =	shalt  }
0x7a: {  	_ =	shalt  }
0x7b: {  	_ =	shalt  }
0x7c: {  	_ =	shalt  }
0x7d: {  	_ =	shalt  }
0x7e: {  	_ =	shalt  }
0x7f: {  	_ =	shalt  }
0x80: {  	_ =	shalt  }
0x81: {  	_ =	shalt  }
0x82: {  	_ =	shalt  }
0x83: {  	_ =	shalt  }
0x84: {  	_ =	shalt  }
0x85: {  	_ =	shalt  }
0x86: {  	_ =	shalt  }
0x87: {  	_ =	shalt  }
.Lfunc_end0:
.L_simem_size_0:
called_computation_lowered:
.L_overlay_start_0:
0x88: {  	s2 =	sld [smem:$0x3FD9]  }
0x89: {  	s3 =	sld [smem:$0x3FFE];
	_ =	sdelay $0x1  }
0x8a: {  	s1 =	srdreg.scid  }
0x8b: {  	s0 =	sand.u32 $0x1, s1  }
0x8c: {  	s17 =	sshll.u32 s0, $0xA;
	s2 =	sadd.s32 s3, s2  }
0x8d: {  	s2 =	sadd.s32 s2, s17  }
0x8e: {  	[smem:$0x3FC4] =	sst s2  }
0x8f: {  	_ = 	snop  }
0x90: {  	s2 =	sld [smem:$0x3FC9]  }
0x91: {  	s18 =	sld [smem:$0x3FC6]  }
0x92: {  	s4 =	sld [smem:$0x3FD0];
	(tm) =	ssettm $0x1  }
0x93: {  	s5 =	sld [smem:$0x3FFB];
	_ =	sdelay $0x3  }
0x94: {  	_ =	strace s5  }
0x95: {  	s5 =	sld [smem:$0x3FFC];
	_ =	sdelay $0x3  }
0x96: {  	_ =	strace s5  }
0x97: {  	s5 =	sld [smem:$0x3FFD];
	_ =	sdelay $0x3  }
0x98: {  	_ =	strace s5  }
0x99: {  	_ =	strace $0x8FFFFFFF  }
0x9a: {  	s19 =	sld [smem:$0x3FDB];
	_ =	sdelay $0x1  }
0x9b: {  	s6 =	simm.s32 $_scs_section_size  }
0x9c: {  	s7 =	simm.s32 $_size__tile_overlayer_lowered;
	s8 =	simm.s32 $_tile_overlayer_lowered  }
0x9d: {  	s22 =	simm.s32 $0x1BFF;
	s21 =	sshll.u32 s8, $0x1;
	s5 =	sadd.s32 s6, s19  }
0x9e: {  	s9 =	simm.s32 $0x0;
	s20 =	sshll.u32 s7, $0x1;
	s7 =	sadd.s32 s21, s5  }
0x9f: {  	[timem:s9], [sflag:s22] =	dma.local [hbm:s7], s20  }
0xa0: {  	_ =	swait.ge [sflag:s22], s20  }
0xa1: {  	s6 =	ssub.s32 $0x0, s20;
	[sflag:s22] =	ssyncset.done $0x0  }
0xa2: {  	[sflag:s22] =	ssyncadd.s32 s6;
	_ =	sdelay $0x1  }
0xa3: {  	s23 =	simm.s32 $0x1B8B  }
0xa4: {  	_ =	swait.ge [sflag:s23], $0x1  }
0xa5: {  	[sflag:s23] =	ssyncset.done $0x0  }
0xa6: {  	s25 =	simm.s32 $0x1B8E;
	s24 =	sld [smem:$0x3FFE];
	[sflag:s23] =	ssyncadd.s32 $0xFFFFFFFF  }
0xa7: {  	s26 =	simm.s32 $execute0_lowered;
	[smem:$0x3FD2] =	sst s25  }
0xa8: {  	s7 =	sshll.u32 s26, $0x1;
	_ =	strace $0x80000046;
	[dreg:$0x1] =	wrdreg $0xFFFFFFFF  }
0xa9: {  	s28 =	simm.s32 $_size_execute0_lowered;
	s5 =	sadd.s32 s5, s7;
	[dreg:$0x0] =	wrdreg $0x0  }
0xaa: {  	s7 =	sshll.u32 s28, $0x1;
	[dreg:$0x2] =	wrdreg s5  }
0xab: {  	[dreg:$0x3] =	wrdreg s7  }
0xac: {  	[dreg:$0x4] =	wrdreg $0xC0  }
0xad: {  	_ =	task [dreg:s9], $0x5FFFF  }
0xae: {  	[dreg:$0x1] =	wrdreg $0xFFFFFFFF  }
0xaf: {  	[dreg:$0x0] =	wrdreg $0x60  }
0xb0: {  	[dreg:$0x2] =	wrdreg s2  }
0xb1: {  	[dreg:$0x3] =	wrdreg s24  }
0xb2: {  	[dreg:$0x4] =	wrdreg s18  }
0xb3: {  	[dreg:$0x5] =	wrdreg s4  }
0xb4: {  	[dreg:$0x6] =	wrdreg $0x41000  }
0xb5: {  	[dreg:$0x7] =	wrdreg $0x9  }
0xb6: {  	_ =	task.clear_ibuf [dreg:s9], $0x8FFFF;
	_ =	strace $0x90000046  }
0xb7: {  	s29 =	simm.s32 $0x9;
	_ =	strace $0x80000048  }
0xb8: {  	_ =	swait.ge [sflag:s29], $0x1  }
0xb9: {  	[sflag:s29] =	ssyncadd.s32 $0xFFFFFFFF  }
0xba: {  	_ =	strace $0x90000048  }
0xbb: {  	_ =	sfence  }
0xbc: {  	s30 =	sld [smem:$0x0];
	_ =	sdelay $0x2  }
0xbd: {  	s31 =	sshll.u32 s1, $0xD;
	s1 =	sshrl.u32 s1, $0x2  }
0xbe: {  	s3 =	sand.u32 $0x4000, s31;
	s1 =	sadd.s32 s1, s30  }
0xbf: {  	s0 =	sor.u32 s3, s0;
	s1 =	sshll.u32 s1, $0x11  }
0xc0: {  	s0 =	sor.u32 s1, s0  }
0xc1: {  	s0 =	sadd.s32 $0x8F2B, s0  }
0xc2: {  	[sflag:s0] =	ssyncadd.remote.s32 $0x1  }
0xc3: {  	_ =	sfence.sel $0xFFFF  }
0xc4: {  	[dreg:$0x0] =	wrdreg $0xFFFFFFFF;
	(pc) =	sbr.abs _section_cstart, $3  }
0xc5: {  	[dreg:$0x1] =	wrdreg $0xFFFFFFFF  }
0xc6: {  	_ =	task.clear_ibuf [dreg:s9], $0x2FFFF;
	_ =	strace $0x9FFFFFFF  }
0xc7: {  	(tm) =	ssettm $0x7FFFFFFF  }
tec
execute0_lowered:
.L_overlay_start_1:
0x0: {  	(tag) =	ssettag $0x1  }
0x1: {  	s1 =	rddreg [dreg:$0x0]  }
0x2: {  	s6 =	rddreg [dreg:$0x1]  }
0x3: {  	s7 =	rddreg [dreg:$0x2]  }
0x4: {  	s10 =	rddreg [dreg:$0x3]  }
0x5: {  	s2 =	rddreg [dreg:$0x4]  }
0x6: {  	s0 =	rddreg [dreg:$0x5]  }
0x7: {  	s4 =	simm.s32 $0x0;
	s5 =	srdreg.scid;
	s3 =	stileid.u32  }
0x8: {  	s16 =	simm.s32 $0x1;
	s17 =	simm.s32 $0x0;
	[smem:$0x7FF] =	sst s4  }
0x9: {  	s8 =	sand.u32 $0x1, s5;
	s5 =	sadd.s32 $0x600, s6;
	s11 =	smul.u32 $0x50000, s3  }
0xa: {  	s6 =	sadd.s32 $0xA600, s6;
	s13 =	smul.u32 $0x14000, s3;
	s15 =	sshll.u32 s3, $0x6  }
0xb: {  	_ =	strace $0x80000047;
	s9 =	ssub.s32 $0x2, s8;
	s14 =	sshll.u32 s8, $0x4  }
0xc: {  	s8 =	smul.u32 $0x140000, s8;
	s12 =	sshrl.u32 s9, $0x1;
	s11 =	sshrl.u32 s11, $0x2  }
0xd: {  	s28 =	sor.u32 s3, s14;
	s30 =	sshrl.u32 s13, $0x3;
	s14 =	simm.s32 $0x80  }
0xe: {  	s12 =	ssub.s32 s9, s12;
	s29 =	sadd.s32 s11, s2;
	s13 =	sadd.s32 s13, s8  }
0xf: {  	s7 =	sadd.s32 s7, s30;
	s8 =	sor.u32 $0x1C02, s15;
	s9 =	smul.u32 $0x2800, s28  }
0x10: {  	s15 =	simm.s32 $0x100;
	s31 =	sshrl.u32 s13, $0x3;
	s11 =	smax.u32 s12, $0x1  }
0x11: {  	s12 =	sshrl.u32 s29, $0x3;
	s13 =	simm.s32 $0x2;
	s10 =	sadd.s32 s10, s31  }
.LBB2_1:
0x12: {  	[spmem:s12], [sflag:s8] =	dma.local [hbm:s7], $0x2800  }
0x13: {  	s18 =	sand.u32 $0x3C00, s4  }
0x14: {  	s19 =	sand.u32 $0x380, s4;
	_ =	swait.ge [sflag:s13], $0x2800;
	s18 =	sadd.s32 s9, s18  }
0x15: {  	[sflag:s13] =	ssyncset.done $0x0;
	s18 =	sor.u32 s19, s18  }
0x16: {  	[sflag:s13] =	ssyncadd.s32 $0xFFFFD800;
	s18 =	sshrl.u32 s18, $0x3  }
0x17: {  	[bflag:$0x0] =	sbarrier.arrive $0xFFFF;
	s29 =	sadd.s32 s5, s18  }
0x18: {  	[tilespmem:s4], [sflag:$0x2] =	stream.linear.gather [hbm4b:s29+s4], $0x80, $0x38;
	[tilespmem:$0x18100] =	vst v63  }
0x19: {  	_ =	swait.ge [sflag:s13], $0x80  }
0x1a: {  	[sflag:s13] =	ssyncset.done $0x0  }
0x1b: {  	s18 =	sadd.s32 s6, s18;
	[sflag:s13] =	ssyncadd.s32 $0xFFFFFF80  }
0x1c: {  	[tilespmem:s14], [sflag:$0x2] =	stream.linear.gather [hbm4b:s18+s4], $0x80, $0x38;
	[tilespmem:$0x18100] =	vst v63  }
0x1d: {  	_ =	swait.ge [sflag:s13], $0x80  }
0x1e: {  	[sflag:s13] =	ssyncset.done $0x0  }
0x1f: {  	[sflag:s13] =	ssyncadd.s32 $0xFFFFFF80  }
0x20: {  	[tilespmem:s15], [sflag:$0x1] =	stream.indirect.gather [hbm4b:s1+s14], $0x80, s4, s14, $0xb8;
	[tilespmem:$0x18100] =	vst v63  }
0x21: {  	_ =	swait.ge [sflag:s16], $0x4000  }
0x22: {  	s30 =	simm.s32 $0x80;
	[sflag:s16] =	ssyncset.done $0x0  }
0x23: {  	s31 =	sand.u32 $0x3C00, s30;
	[sflag:s16] =	ssyncadd.s32 $0xFFFFC000  }
0x24: {  	[spmem:s2] =	stream.indirect.scatter.add.f32 [tilespmem:s15], [sflag:$0x2], $0x80, s14, s14, $0xb8;
	[tilespmem:$0x18100] =	vst v63  }
0x25: {  	s20 =	sand.u32 $0x380, s30;
	s19 =	sadd.s32 s9, s31;
	_ =	swait.ge [sflag:s13], $0x4000  }
0x26: {  	s19 =	sor.u32 s20, s19;
	s18 =	simm.s32 $0x100;
	[sflag:s13] =	ssyncset.done $0x0  }
.LBB2_2:
0x27: {  	s19 =	sshrl.u32 s19, $0x3  }
0x28: {  	[sflag:s13] =	ssyncadd.s32 $0xFFFFC000;
	s20 =	smov.u32 s18;
	s21 =	sadd.s32 $0x80, s18  }
0x29: {  	p0 =	sne.s32 s18, $0x2700;
	s18 =	sadd.s32 s5, s19  }
0x2a: {  	[tilespmem:s4], [sflag:$0x2] =	stream.linear.gather [hbm4b:s18+s4], $0x80, $0x38;
	[tilespmem:$0x18100] =	vst v63  }
0x2b: {  	_ =	swait.ge [sflag:s13], $0x80  }
0x2c: {  	[sflag:s13] =	ssyncset.done $0x0  }
0x2d: {  	s18 =	sadd.s32 s6, s19;
	[sflag:s13] =	ssyncadd.s32 $0xFFFFFF80  }
0x2e: {  	[tilespmem:s14], [sflag:$0x2] =	stream.linear.gather [hbm4b:s18+s4], $0x80, $0x38;
	[tilespmem:$0x18100] =	vst v63  }
0x2f: {  	_ =	swait.ge [sflag:s13], $0x80  }
0x30: {  	[sflag:s13] =	ssyncset.done $0x0  }
0x31: {  	[sflag:s13] =	ssyncadd.s32 $0xFFFFFF80  }
0x32: {  	[tilespmem:s15], [sflag:$0x1] =	stream.indirect.gather [hbm4b:s1+s14], $0x80, s4, s14, $0xb8;
	[tilespmem:$0x18100] =	vst v63  }
0x33: {  	_ =	swait.ge [sflag:s16], $0x4000  }
.Ltmp0:
0x34: {  	[sflag:s16] =	ssyncset.done $0x0;
	(pc) =	sbr.rel @p0 .LBB2_2-.Ltmp0, $4  }
0x35: {  	s18 =	sand.u32 $0x3C00, s20;
	[sflag:s16] =	ssyncadd.s32 $0xFFFFC000  }
0x36: {  	[spmem:s2] =	stream.indirect.scatter.add.f32 [tilespmem:s15], [sflag:$0x2], $0x80, s14, s14, $0xb8;
	[tilespmem:$0x18100] =	vst v63  }
0x37: {  	s19 =	sand.u32 $0x380, s20;
	s18 =	sadd.s32 s9, s18;
	_ =	swait.ge [sflag:s13], $0x4000  }
0x38: {  	s19 =	sor.u32 s19, s18;
	s18 =	smov.u32 s21;
	[sflag:s13] =	ssyncset.done $0x0  }
0x39: {  	s18 =	sshrl.u32 s19, $0x3  }
0x3a: {  	[sflag:s13] =	ssyncadd.s32 $0xFFFFC000;
	s19 =	sadd.s32 s5, s18  }
0x3b: {  	[tilespmem:s4], [sflag:$0x2] =	stream.linear.gather [hbm4b:s19+s4], $0x80, $0x38;
	[tilespmem:$0x18100] =	vst v63  }
0x3c: {  	_ =	swait.ge [sflag:s13], $0x80  }
0x3d: {  	[sflag:s13] =	ssyncset.done $0x0  }
0x3e: {  	s18 =	sadd.s32 s6, s18;
	[sflag:s13] =	ssyncadd.s32 $0xFFFFFF80  }
0x3f: {  	[tilespmem:s14], [sflag:$0x2] =	stream.linear.gather [hbm4b:s18+s4], $0x80, $0x38;
	[tilespmem:$0x18100] =	vst v63  }
0x40: {  	_ =	swait.ge [sflag:s13], $0x80  }
0x41: {  	[sflag:s13] =	ssyncset.done $0x0  }
0x42: {  	[sflag:s13] =	ssyncadd.s32 $0xFFFFFF80  }
0x43: {  	[tilespmem:s15], [sflag:$0x1] =	stream.indirect.gather [hbm4b:s1+s14], $0x80, s4, s14, $0xb8;
	[tilespmem:$0x18100] =	vst v63  }
0x44: {  	_ =	swait.ge [sflag:s16], $0x4000  }
0x45: {  	[sflag:s16] =	ssyncset.done $0x0  }
0x46: {  	[sflag:s16] =	ssyncadd.s32 $0xFFFFC000  }
0x47: {  	[spmem:s2] =	stream.indirect.scatter.add.f32 [tilespmem:s15], [sflag:$0x2], $0x80, s14, s14, $0xb8;
	[tilespmem:$0x18100] =	vst v63  }
0x48: {  	_ =	swait.ge [sflag:s13], $0x4000  }
0x49: {  	s17 =	sadd.s32 $0x1, s17;
	[sflag:s13] =	ssyncset.done $0x0  }
0x4a: {  	p0 =	sne.s32 s17, s11;
	[sflag:s13] =	ssyncadd.s32 $0xFFFFC000  }
.Ltmp1:
0x4b: {  	[bflag:$0x0] =	sbarrier.arrive $0xFFFF;
	(pc) =	sbr.rel @p0 .LBB2_1-.Ltmp1, $4  }
0x4c: {  	[hbm:s10], [sflag:s8] =	dma.local [spmem:s12], $0x2800  }
0x4d: {  	_ =	swait.ge [sflag:s13], $0x2800  }
0x4e: {  	[sflag:s13] =	ssyncset.done $0x0  }
0x4f: {  	[sflag:s13] =	ssyncadd.s32 $0xFFFFD800  }
0x50: {  	_ =	sfence.sel $0x180000  }
0x51: {  	[bflag:$0x0] =	sbarrier.arrive $0xFFFF  }
0x52: {  	p0 =	sne.s32 s3, $0x0;
	_ =	strace $0x90000047  }
0x53: {  	s0 =	sadd.s32 @!p0 $0x100000, s0;
	[bflag:$0x2] =	sbarrier.arrive $0xFFFF  }
0x54: {  	[sflag:s0] =	ssyncadd.tile.s32 @!p0 $0x1;
	_ =	shalt  }
.Lfunc_end2:
_tile_overlayer_lowered:
.L_overlay_start_2:
0x55: {  	(tag) =	ssettag $0x2  }
0x56: {  	s0 =	rddreg [dreg:$0x0];
	s2 =	stileid.u32  }
0x57: {  	s1 =	rddreg [dreg:$0x1];
	p0 =	sne.s32 s2, $0x0  }
0x58: {  	s3 =	rddreg [dreg:$0x2];
	[bflag:$0x3] =	sbarrier.arrive $0xFFFF;
	s2 =	simm.s32 @!p0 $0x1C02  }
0x59: {  	[timem:s3], [sflag:s2] =	dma.local @!p0 [hbm:s0], s1  }
0x5a: {  	s0 =	simm.s32 @!p0 $0x2  }
0x5b: {  	_ =	swait.ge @!p0 [sflag:s0], s1  }
0x5c: {  	s1 =	ssub.s32 @!p0 $0x0, s1;
	[sflag:s0] =	ssyncset.done @!p0 $0x0  }
0x5d: {  	[sflag:s0] =	ssyncadd.s32 @!p0 s1  }
0x5e: {  	[bflag:$0x3] =	sbarrier.arrive $0xFFFF  }
0x5f: {  	_ =	shalt  }

</sc_bundles>
